<compile_context>
chip_gen: v7x
topology: tpu7x:2x2x1
jax: 0.10.2.dev20260603
libtpu: 0.0.44.dev20260713+nightly
codegen_flags: <defaults>
</compile_context>

<pallas_src>
import jax
import jax.numpy as jnp
from jax.experimental import pallas as pl

P = 32
ROW_W = 4 * P
HID = 14
OUT_W = P * HID


def _edge_block_kernel(sv_ref, dv_ref, g_ref, m1_ref, m2_ref, out_ref):
    s = sv_ref[...]
    d = dv_ref[...]
    li = jax.lax.broadcasted_iota(jnp.int32, s.shape, 1)
    signs = jnp.where((li & 3) == 0, -1.0, 1.0).astype(jnp.float32)
    sm = s * signs
    bb = sm * s
    aa = sm * d
    cc = (d * signs) * d
    t = s - d
    yy = (t * signs) * t
    x = jnp.concatenate([bb, aa, cc, yy], axis=1)
    sfeat = jax.lax.dot_general(
        x, g_ref[...], (((1,), (0,)), ((), ())),
        precision=jax.lax.Precision.HIGHEST,
        preferred_element_type=jnp.float32)
    lane = jax.lax.broadcasted_iota(jnp.int32, sfeat.shape, 1)
    lg = jnp.log1p(jnp.abs(sfeat))
    ps = jnp.where(sfeat < 0.0, -lg, lg)
    f = jnp.where(lane < 2 * P, sfeat, ps)
    ones = jnp.ones((f.shape[0], 1), dtype=jnp.float32)
    f_aug = jnp.concatenate([f, ones], axis=1)
    z = jax.lax.dot_general(
        f_aug, m1_ref[...], (((1,), (0,)), ((), ())),
        precision=jax.lax.Precision.HIGHEST,
        preferred_element_type=jnp.float32)
    h = jnp.maximum(z, 0.0)
    y = jax.lax.dot_general(
        h, m2_ref[...], (((1,), (0,)), ((), ())),
        precision=jax.lax.Precision.HIGHEST,
        preferred_element_type=jnp.float32)
    out_ref[...] = y


def kernel(src, dest, edge_attr, u, batch, W1, b1, W2, b2):
    E = src.shape[0]
    R = E // P
    sv = src.reshape(R, ROW_W)
    dv = dest.reshape(R, ROW_W)

    eye = jnp.eye(P, dtype=jnp.float32)
    g_small = jnp.kron(eye, jnp.ones((4, 1), dtype=jnp.float32))
    g = jnp.kron(jnp.eye(4, dtype=jnp.float32), g_small)
    m1 = jnp.einsum('ch,jk->cjkh', W1, eye).reshape(ROW_W, OUT_W)
    m1_aug = jnp.zeros((ROW_W + 1, OUT_W + 1), dtype=jnp.float32)
    m1_aug = m1_aug.at[:ROW_W, :OUT_W].set(m1)
    m1_aug = m1_aug.at[ROW_W, :OUT_W].set(jnp.tile(b1, P))
    m1_aug = m1_aug.at[ROW_W, OUT_W].set(1.0)
    m2 = jnp.kron(eye, W2)
    m2_aug = jnp.concatenate(
        [m2, jnp.tile(b2, P)[None, :]], axis=0)

    blk_r = 1000 if R % 1000 == 0 else R
    grid = (R // blk_r,)
    out = pl.pallas_call(
        _edge_block_kernel,
        grid=grid,
        in_specs=[
            pl.BlockSpec((blk_r, ROW_W), lambda i: (i, 0)),
            pl.BlockSpec((blk_r, ROW_W), lambda i: (i, 0)),
            pl.BlockSpec((4 * ROW_W, ROW_W), lambda i: (0, 0)),
            pl.BlockSpec((ROW_W + 1, OUT_W + 1), lambda i: (0, 0)),
            pl.BlockSpec((OUT_W + 1, OUT_W), lambda i: (0, 0)),
        ],
        out_specs=pl.BlockSpec((blk_r, OUT_W), lambda i: (i, 0)),
        out_shape=jax.ShapeDtypeStruct((R, OUT_W), jnp.float32),
    )(sv, dv, g, m1_aug, m2_aug)
    return out.reshape(E, HID)

# --- scband reference (transcript-rebuilt; emitter-appended) ---
"""Pipeline reference for scband-lorentz-edge-block-69861938037250 (READ-ONLY COPY).

The authoritative reference and input builder live on the scoring server;
editing this copy changes nothing except your own understanding.
"""

import jax, jax.numpy as jnp
import numpy as np

MINK = jnp.array([[-1.0, 0.0, 0.0, 0.0],
                  [0.0, 1.0, 0.0, 0.0],
                  [0.0, 0.0, 1.0, 0.0],
                  [0.0, 0.0, 0.0, 1.0]], dtype=jnp.float32)

HIDDEN = 14
E = 3200000


def psi(x):
    return jnp.sign(x) * jnp.log(jnp.abs(x) + 1.0)


def innerprod(x1, x2):
    return jnp.sum(jnp.matmul(x1, MINK) * x2, axis=1, keepdims=True)


def setup_inputs(seed: int = 0) -> dict:
    key = jax.random.key(seed)
    ks = jax.random.split(key, 9)
    src = jax.random.normal(ks[0], (E, 4), dtype=jnp.float32)
    dest = jax.random.normal(ks[1], (E, 4), dtype=jnp.float32)
    edge_attr = jax.random.normal(ks[2], (E, 4), dtype=jnp.float32)
    u = jax.random.normal(ks[3], (1, 4), dtype=jnp.float32)
    batch = jnp.zeros((E,), dtype=jnp.int32)
    # edge_mlp parameters: Lin(4, 14) -> ReLU -> Lin(14, 14)
    W1 = jax.random.normal(ks[4], (4, HIDDEN), dtype=jnp.float32) * (1.0 / np.sqrt(4.0))
    b1 = jax.random.normal(ks[5], (HIDDEN,), dtype=jnp.float32) * 0.01
    W2 = jax.random.normal(ks[6], (HIDDEN, HIDDEN), dtype=jnp.float32) * (1.0 / np.sqrt(HIDDEN))
    b2 = jax.random.normal(ks[7], (HIDDEN,), dtype=jnp.float32) * 0.01
    return {"src": src, "dest": dest, "edge_attr": edge_attr, "u": u, "batch": batch,
            "W1": W1, "b1": b1, "W2": W2, "b2": b2}


def reference(src, dest, edge_attr, u, batch, W1, b1, W2, b2):
    out = jnp.concatenate([
        innerprod(src, src),
        innerprod(src, dest),
        psi(innerprod(dest, dest)),
        psi(innerprod(src - dest, src - dest)),
    ], axis=1)
    h = jax.nn.relu(jnp.matmul(out, W1) + b1)
    return jnp.matmul(h, W2) + b2

if __name__ == "__main__":
    import jax
    _d = setup_inputs()
    print(jax.jit(kernel)(*tuple(_d.values())))

</pallas_src>

<mosaic_0001>
module attributes {stable_mosaic.version = 14 : i64} {
  func.func @_edge_block_kernel(%arg0: i32, %arg1: memref<1000x128xf32, #tpu.memory_space<vmem>>, %arg2: memref<1000x128xf32, #tpu.memory_space<vmem>>, %arg3: memref<512x128xf32, #tpu.memory_space<vmem>>, %arg4: memref<129x449xf32, #tpu.memory_space<vmem>>, %arg5: memref<449x448xf32, #tpu.memory_space<vmem>>, %arg6: memref<1000x448xf32, #tpu.memory_space<vmem>>) attributes {dimension_semantics = [#tpu.dimension_semantics<arbitrary>], iteration_bounds = array<i64: 100>, scalar_prefetch = 0 : i64, scratch_operands = 0 : i64, tpu.core_type = #tpu.core_type<tc>, window_params = [{transform_indices = @transform_0, window_bounds = array<i64: 1000, 128>}, {transform_indices = @transform_1, window_bounds = array<i64: 1000, 128>}, {pipeline_mode = #tpu.pipeline_mode<synchronous>, transform_indices = @transform_2, window_bounds = array<i64: 512, 128>}, {pipeline_mode = #tpu.pipeline_mode<synchronous>, transform_indices = @transform_3, window_bounds = array<i64: 129, 449>}, {pipeline_mode = #tpu.pipeline_mode<synchronous>, transform_indices = @transform_4, window_bounds = array<i64: 449, 448>}, {transform_indices = @transform_5, window_bounds = array<i64: 1000, 448>}]} {
    %get3A = arith.constant 0 : index
    %get3A_0 = arith.constant 0 : index
    %get3A_1 = vector.load %arg1[%get3A, %get3A_0] : memref<1000x128xf32, #tpu.memory_space<vmem>>, vector<1000x128xf32>
    %get3A_2 = arith.constant 0 : index
    %get3A_3 = arith.constant 0 : index
    %get3A_4 = vector.load %arg2[%get3A_2, %get3A_3] : memref<1000x128xf32, #tpu.memory_space<vmem>>, vector<1000x128xf32>
    %iota3A = tpu.iota {dimensions = array<i32: 1>} : vector<1000x128xi32>
    %and3A = arith.constant 3 : i32
    %and3A_5 = vector.broadcast %and3A : i32 to vector<1000x128xi32>
    %and3A_6 = arith.andi %iota3A, %and3A_5 : vector<1000x128xi32>
    %eq3A = arith.constant 0 : i32
    %eq3A_7 = vector.broadcast %eq3A : i32 to vector<1000x128xi32>
    %eq3A_8 = arith.cmpi eq, %and3A_6, %eq3A_7 : vector<1000x128xi32>
    %jit3A = arith.constant -1.000000e+00 : f32
    %jit3A_9 = arith.constant 1.000000e+00 : f32
    %broadcast_in_dim3A = vector.broadcast %jit3A : f32 to vector<1000x128xf32>
    %broadcast_in_dim3A_10 = vector.broadcast %jit3A_9 : f32 to vector<1000x128xf32>
    %select_n3A = arith.select %eq3A_8, %broadcast_in_dim3A, %broadcast_in_dim3A_10 : vector<1000x128xi1>, vector<1000x128xf32>
    %mul3A = arith.mulf %get3A_1, %select_n3A : vector<1000x128xf32>
    %mul3A_11 = arith.mulf %mul3A, %get3A_1 : vector<1000x128xf32>
    %mul3A_12 = arith.mulf %mul3A, %get3A_4 : vector<1000x128xf32>
    %mul3A_13 = arith.mulf %get3A_4, %select_n3A : vector<1000x128xf32>
    %mul3A_14 = arith.mulf %mul3A_13, %get3A_4 : vector<1000x128xf32>
    %sub3A = arith.subf %get3A_1, %get3A_4 : vector<1000x128xf32>
    %mul3A_15 = arith.mulf %sub3A, %select_n3A : vector<1000x128xf32>
    %mul3A_16 = arith.mulf %mul3A_15, %sub3A : vector<1000x128xf32>
    %concatenate3A = tpu.concatenate %mul3A_11, %mul3A_12, %mul3A_14, %mul3A_16 in 1 : vector<1000x128xf32>, vector<1000x128xf32>, vector<1000x128xf32>, vector<1000x128xf32> -> vector<1000x512xf32>
    %get3A_17 = arith.constant 0 : index
    %get3A_18 = arith.constant 0 : index
    %get3A_19 = vector.load %arg3[%get3A_17, %get3A_18] : memref<512x128xf32, #tpu.memory_space<vmem>>, vector<512x128xf32>
    %dot_general3A = arith.constant dense<0.000000e+00> : vector<1000x128xf32>
    %dot_general3A_20 = tpu.matmul %concatenate3A, %get3A_19, %dot_general3A {dimension_numbers = #tpu.dot_dimension_numbers<[1], [0], [0], [1], [0, 0, 1, 1], [], []>, precision = #tpu.contract_precision<fp32>, transpose_lhs_hint = false} : vector<1000x512xf32>, vector<512x128xf32>, vector<1000x128xf32> -> vector<1000x128xf32>
    %iota3A_21 = tpu.iota {dimensions = array<i32: 1>} : vector<1000x128xi32>
    %abs3A = math.absf %dot_general3A_20 : vector<1000x128xf32>
    %log1p3A = math.log1p %abs3A : vector<1000x128xf32>
    %lt3A = arith.constant 0.000000e+00 : f32
    %lt3A_22 = vector.broadcast %lt3A : f32 to vector<1000x128xf32>
    %lt3A_23 = arith.cmpf olt, %dot_general3A_20, %lt3A_22 : vector<1000x128xf32>
    %neg3A = arith.constant 0.000000e+00 : f32
    %neg3A_24 = vector.broadcast %neg3A : f32 to vector<1000x128xf32>
    %neg3A_25 = arith.subf %neg3A_24, %log1p3A : vector<1000x128xf32>
    %select_n3A_26 = arith.select %lt3A_23, %neg3A_25, %log1p3A : vector<1000x128xi1>, vector<1000x128xf32>
    %lt3A_27 = arith.constant 64 : i32
    %lt3A_28 = vector.broadcast %lt3A_27 : i32 to vector<1000x128xi32>
    %lt3A_29 = arith.cmpi slt, %iota3A_21, %lt3A_28 : vector<1000x128xi32>
    %select_n3A_30 = arith.select %lt3A_29, %dot_general3A_20, %select_n3A_26 : vector<1000x128xi1>, vector<1000x128xf32>
    %broadcast_in_dim3A_31 = arith.constant 1.000000e+00 : f32
    %broadcast_in_dim3A_32 = vector.broadcast %broadcast_in_dim3A_31 : f32 to vector<1000x1xf32>
    %concatenate3A_33 = tpu.concatenate %select_n3A_30, %broadcast_in_dim3A_32 in 1 : vector<1000x128xf32>, vector<1000x1xf32> -> vector<1000x129xf32>
    %get3A_34 = arith.constant 0 : index
    %get3A_35 = arith.constant 0 : index
    %get3A_36 = vector.load %arg4[%get3A_34, %get3A_35] : memref<129x449xf32, #tpu.memory_space<vmem>>, vector<129x449xf32>
    %dot_general3A_37 = arith.constant dense<0.000000e+00> : vector<1000x449xf32>
    %dot_general3A_38 = tpu.matmul %concatenate3A_33, %get3A_36, %dot_general3A_37 {dimension_numbers = #tpu.dot_dimension_numbers<[1], [0], [0], [1], [0, 0, 1, 1], [], []>, precision = #tpu.contract_precision<fp32>, transpose_lhs_hint = false} : vector<1000x129xf32>, vector<129x449xf32>, vector<1000x449xf32> -> vector<1000x449xf32>
    %max3A = arith.constant 0.000000e+00 : f32
    %max3A_39 = vector.broadcast %max3A : f32 to vector<1000x449xf32>
    %max3A_40 = arith.maximumf %dot_general3A_38, %max3A_39 : vector<1000x449xf32>
    %get3A_41 = arith.constant 0 : index
    %get3A_42 = arith.constant 0 : index
    %get3A_43 = vector.load %arg5[%get3A_41, %get3A_42] : memref<449x448xf32, #tpu.memory_space<vmem>>, vector<449x448xf32>
    %dot_general3A_44 = arith.constant dense<0.000000e+00> : vector<1000x448xf32>
    %dot_general3A_45 = tpu.matmul %max3A_40, %get3A_43, %dot_general3A_44 {dimension_numbers = #tpu.dot_dimension_numbers<[1], [0], [0], [1], [0, 0, 1, 1], [], []>, precision = #tpu.contract_precision<fp32>, transpose_lhs_hint = false} : vector<1000x449xf32>, vector<449x448xf32>, vector<1000x448xf32> -> vector<1000x448xf32>
    %swap3A = arith.constant 0 : index
    %swap3A_46 = arith.constant 0 : index
    %swap3A_47 = vector.load %arg6[%swap3A, %swap3A_46] : memref<1000x448xf32, #tpu.memory_space<vmem>>, vector<1000x448xf32>
    tpu.vector_store %arg6[%swap3A, %swap3A_46], %dot_general3A_45 {strides = array<i32>} : memref<1000x448xf32, #tpu.memory_space<vmem>>, vector<1000x448xf32>,
    return
  }
  func.func @transform_0(%arg0: i32) -> (i32, i32) {
    %c0_i32 = arith.constant 0 : i32
    %c0_i32_0 = arith.constant 0 : i32
    return %arg0, %c0_i32 : i32, i32
  }
  func.func @transform_1(%arg0: i32) -> (i32, i32) {
    %c0_i32 = arith.constant 0 : i32
    %c0_i32_0 = arith.constant 0 : i32
    return %arg0, %c0_i32 : i32, i32
  }
  func.func @transform_2(%arg0: i32) -> (i32, i32) {
    %c0_i32 = arith.constant 0 : i32
    %c0_i32_0 = arith.constant 0 : i32
    %c0_i32_1 = arith.constant 0 : i32
    return %c0_i32, %c0_i32_0 : i32, i32
  }
  func.func @transform_3(%arg0: i32) -> (i32, i32) {
    %c0_i32 = arith.constant 0 : i32
    %c0_i32_0 = arith.constant 0 : i32
    %c0_i32_1 = arith.constant 0 : i32
    return %c0_i32, %c0_i32_0 : i32, i32
  }
  func.func @transform_4(%arg0: i32) -> (i32, i32) {
    %c0_i32 = arith.constant 0 : i32
    %c0_i32_0 = arith.constant 0 : i32
    %c0_i32_1 = arith.constant 0 : i32
    return %c0_i32, %c0_i32_0 : i32, i32
  }
  func.func @transform_5(%arg0: i32) -> (i32, i32) {
    %c0_i32 = arith.constant 0 : i32
    %c0_i32_0 = arith.constant 0 : i32
    return %arg0, %c0_i32 : i32, i32
  }
}

</mosaic_0001>

<sc_bundles>
// kernel: sparse-core-data-format-call.cloned.1.call-start
scs
called_computation_lowered:
.L_overlay_start_0:
0x0: {  	s2 =	sld [smem:$0x3FD9]  }
0x1: {  	s3 =	sld [smem:$0x3FFE];
	_ =	sdelay $0x1  }
0x2: {  	s1 =	srdreg.scid  }
0x3: {  	s0 =	sand.u32 $0x1, s1  }
0x4: {  	s18 =	sshll.u32 s0, $0xA;
	s2 =	sadd.s32 s3, s2  }
0x5: {  	s2 =	sadd.s32 s2, s18  }
0x6: {  	[smem:$0x3FC2] =	sst s2  }
0x7: {  	_ = 	snop  }
0x8: {  	s2 =	sld [smem:$0x3FD0];
	(tm) =	ssettm $0x1  }
0x9: {  	s19 =	sld [smem:$0x3FFB];
	_ =	sdelay $0x3  }
0xa: {  	_ =	strace s19  }
0xb: {  	s3 =	sld [smem:$0x3FFC];
	_ =	sdelay $0x3  }
0xc: {  	_ =	strace s3  }
0xd: {  	s3 =	sld [smem:$0x3FFD];
	_ =	sdelay $0x3  }
0xe: {  	_ =	strace s3  }
0xf: {  	_ =	strace $0x8FFFFFFF  }
0x10: {  	s20 =	sld [smem:$0x3FDB];
	_ =	sdelay $0x1  }
0x11: {  	s4 =	simm.s32 $_scs_section_size  }
0x12: {  	s5 =	simm.s32 $_size__tile_overlayer_lowered;
	s6 =	simm.s32 $_tile_overlayer_lowered  }
0x13: {  	s23 =	simm.s32 $0x1BFF;
	s22 =	sshll.u32 s6, $0x1;
	s3 =	sadd.s32 s4, s20  }
0x14: {  	s7 =	simm.s32 $0x0;
	s21 =	sshll.u32 s5, $0x1;
	s5 =	sadd.s32 s22, s3  }
0x15: {  	[timem:s7], [sflag:s23] =	dma.local [hbm:s5], s21  }
0x16: {  	_ =	swait.ge [sflag:s23], s21  }
0x17: {  	s4 =	ssub.s32 $0x0, s21;
	[sflag:s23] =	ssyncset.done $0x0  }
0x18: {  	[sflag:s23] =	ssyncadd.s32 s4;
	_ =	sdelay $0x1  }
0x19: {  	s24 =	simm.s32 $0x1B8B  }
0x1a: {  	_ =	swait.ge [sflag:s24], $0x1  }
0x1b: {  	[sflag:s24] =	ssyncset.done $0x0  }
0x1c: {  	s26 =	simm.s32 $0x1B8E;
	s25 =	sld [smem:$0x3FFE];
	[sflag:s24] =	ssyncadd.s32 $0xFFFFFFFF  }
0x1d: {  	s27 =	simm.s32 $execute0_lowered;
	[smem:$0x3FD2] =	sst s26  }
0x1e: {  	s5 =	sshll.u32 s27, $0x1;
	_ =	strace $0x80000046;
	[dreg:$0x1] =	wrdreg $0xFFFFFFFF  }
0x1f: {  	s28 =	simm.s32 $_size_execute0_lowered;
	s3 =	sadd.s32 s3, s5;
	[dreg:$0x0] =	wrdreg $0x0  }
0x20: {  	s5 =	sshll.u32 s28, $0x1;
	[dreg:$0x2] =	wrdreg s3  }
0x21: {  	[dreg:$0x3] =	wrdreg s5  }
0x22: {  	[dreg:$0x4] =	wrdreg $0xC0  }
0x23: {  	_ =	task [dreg:s7], $0x5FFFF  }
0x24: {  	[dreg:$0x1] =	wrdreg $0xFFFFFFFF  }
0x25: {  	[dreg:$0x0] =	wrdreg $0x60  }
0x26: {  	[dreg:$0x2] =	wrdreg s25  }
0x27: {  	[dreg:$0x3] =	wrdreg s2  }
0x28: {  	[dreg:$0x4] =	wrdreg $0x9  }
0x29: {  	_ =	task.clear_ibuf [dreg:s7], $0x5FFFF;
	_ =	strace $0x90000046  }
0x2a: {  	s29 =	simm.s32 $0x9;
	_ =	strace $0x80000048  }
0x2b: {  	_ =	swait.ge [sflag:s29], $0x1  }
0x2c: {  	[sflag:s29] =	ssyncadd.s32 $0xFFFFFFFF  }
0x2d: {  	_ =	strace $0x90000048  }
0x2e: {  	_ =	sfence  }
0x2f: {  	s30 =	sld [smem:$0x0];
	_ =	sdelay $0x2  }
0x30: {  	s31 =	sshll.u32 s1, $0xD;
	s1 =	sshrl.u32 s1, $0x2  }
0x31: {  	s3 =	sand.u32 $0x4000, s31;
	s1 =	sadd.s32 s1, s30  }
0x32: {  	s0 =	sor.u32 s3, s0;
	s1 =	sshll.u32 s1, $0x11  }
0x33: {  	s0 =	sor.u32 s1, s0  }
0x34: {  	s0 =	sadd.s32 $0x8F2B, s0  }
0x35: {  	[sflag:s0] =	ssyncadd.remote.s32 $0x1  }
0x36: {  	_ =	sfence.sel $0xFFFF  }
0x37: {  	[dreg:$0x0] =	wrdreg $0xFFFFFFFF;
	(pc) =	sbr.abs _section_cstart, $3  }
0x38: {  	[dreg:$0x1] =	wrdreg $0xFFFFFFFF  }
0x39: {  	_ =	task.clear_ibuf [dreg:s7], $0x2FFFF;
	_ =	strace $0x9FFFFFFF  }
0x3a: {  	(tm) =	ssettm $0x7FFFFFFF  }
0x3b: {  	_ =	shalt  }
tec
execute0_lowered:
.L_overlay_start_1:
0x0: {  	(tag) =	ssettag $0x1  }
0x1: {  	s0 =	srdreg.scid  }
0x2: {  	s1 =	sshll.u32 s0, $0x4  }
0x3: {  	s4 =	rddreg [dreg:$0x0];
	s0 =	stileid.u32;
	s1 =	sand.u32 $0x10, s1  }
0x4: {  	s2 =	rddreg [dreg:$0x1];
	s7 =	simm.s32 $0x1;
	s1 =	sor.u32 s0, s1  }
0x5: {  	s8 =	simm.s32 $0x2;
	s11 =	simm.s32 $0x0;
	s3 =	sshll.u32 s1, $0x7  }
0x6: {  	s10 =	simm.s32 $0x0;
	s4 =	sadd.s32 $0xE00, s4;
	s6 =	ssub.s32 $0x30D400, s3  }
.Ltmp0:
0x7: {  	s1 =	rddreg [dreg:$0x2];
	s5 =	sand.u32 $0xF80, s6;
	(pc) =	sbr.rel .LBB1_1-.Ltmp0, $4  }
0x8: {  	_ =	strace $0x80000047;
	s9 =	smov.u32 s3;
	p0 =	sne.s32 s5, $0x0  }
0x9: {  	s6 =	sshrl.u32 s6, $0xC;
	s5 =	simm.s32 $0x1;
	s7 =	simm.s32 @!p0 $0x0  }
0xa: {  	[sflag:s5] =	ssyncpa.u1 $0x0;
	p0 =	por $0x0, $0x0;
	s6 =	sadd.s32 s7, s6  }
0xb: {  	[sflag:s8] =	ssyncpa.u1 $0x0;
	s8 =	simm.s32 $0x186A000;
	s7 =	sadd.s32 $0x1, s6  }
.LBB1_4:
0xc: {  	s14 =	sshll.u32 s11, $0x3  }
0xd: {  	s15 =	sshrl.u32 s14, $0xA  }
0xe: {  	s15 =	smulhi.u32 $0x53E2D7, s15;
	_ =	sdelay $0x1  }
0xf: {  	s15 =	sshrl.u32 s15, $0x2  }
0x10: {  	s28 =	sand.u32 $0x7F, s11;
	s14 =	sand.u32 $0xFFFFFC00, s14;
	s16 =	smul.u32 $0x30D400, s15  }
0x11: {  	[tilespmem:s12+$0xFFFFFFFC ss:$0x81] =	vst.msk $0xffff, v1;
	s11 =	sor.u32 s28, s14;
	s29 =	sand.u32 $0xF, s15  }
0x12: {  	[tilespmem:s12+$0xFFFFFFFD ss:$0x81] =	vst.msk $0xffff, v2;
	s14 =	smul.u32 $0x61A80, s29;
	s11 =	ssub.s32 s11, s16  }
0x13: {  	[tilespmem:s12+$0xFFFFFFFE ss:$0x81] =	vst.msk $0xffff, v0;
	s30 =	sand.u32 $0x7, s11  }
0x14: {  	[tilespmem:s12+$0xFFFFFFFF ss:$0x81] =	vst.msk $0xffff, v4;
	s11 =	sshrl.u32 s11, $0x3;
	s14 =	sadd.s32 s2, s14;
	s15 =	sshll.u32 s30, $0x12  }
0x15: {  	[tilespmem:s12+$0xFFFFFFF9 ss:$0x81] =	vst.msk $0xffff, v3;
	s11 =	sadd.s32 s11, s14;
	s31 =	sor.u32 $0x400, s15  }
0x16: {  	[hbm4b:s11+s31] =	stream.strided.scatter [tilespmem:s13], [sflag:$0x2], $0x800, s8, s31, $0x20;
	[tilespmem:$0x2020] =	vst v63  }
.LBB1_5:
0x17: {  	s13 =	sadd.s32 $0x1000, s9  }
0x18: {  	p2 =	sgt.s32 s13, $0x30D3FF  }
0x19: {  	s13 =	smov.u32 @p2 s3;
	p2 =	sne.s32 s10, s7  }
.Ltmp1:
0x1a: {  	p1 =	slt.u32 s10, $0x2;
	(pc) =	sbr.rel @!p2 .LBB1_6-.Ltmp1, $4  }
0x1b: {  	s12 =	simm.s32 @!p1 $0x2  }
0x1c: {  	s14 =	sadd.s32 $0x1, s10;
	_ =	swait.ge @!p1 [sflag:s12], $0x800  }
0x1d: {  	s11 =	smov.u32 s9;
	p0 =	por !p0, !p0;
	[sflag:s12] =	ssyncset.done @!p1 $0x0  }
0x1e: {  	s10 =	smov.u32 s14;
	s9 =	smov.u32 s13;
	[sflag:s12] =	ssyncadd.s32 @!p1 $0xFFFFF800  }
.LBB1_1:
0x1f: {  	p1 =	sge.u32 s10, s6  }
0x20: {  	s12 =	sand.u32 @!p1 $0x1FFFFFF, s9  }
0x21: {  	s13 =	smulhi.u32 @!p1 $0x14F8B59, s12;
	_ =	sdelay $0x1  }
0x22: {  	s13 =	sshrl.u32 @!p1 s13, $0xE  }
0x23: {  	s13 =	smul.u32 @!p1 $0x30D400, s13;
	_ =	sdelay $0x1  }
0x24: {  	s31 =	sadd.s32 $0xFFFFFFFF, s10;
	s14 =	sxor.u32 @!p1 $0xFFFFFFFF, s10;
	s12 =	ssub.s32 @!p1 s12, s13  }
0x25: {  	s15 =	simm.s32 @!p1 $0x80;
	s14 =	sshll.u32 @!p1 s14, $0xB;
	s12 =	sshll.u32 @!p1 s12, $0x4  }
0x26: {  	s13 =	sand.u32 @!p1 $0x800, s14;
	s14 =	simm.s32 @!p1 $0x10;
	s12 =	sadd.s32 @!p1 s4, s12  }
0x27: {  	[tilespmem:s13], [sflag:$0x1] =	stream.strided.gather @!p1 [hbm4b:s12+s14], $0x800, s15, s14, $0x38;
	[tilespmem:$0x2020] =	vst v63  }
0x28: {  	p1 =	sge.u32 s31, s6  }
.Ltmp2:
0x29: {  	_ = 	snop;
	(pc) =	sbr.rel @p1 .LBB1_5-.Ltmp2, $1  }
0x2a: {  	_ =	sdelay $0x3  }
0x2b: {  	s12 =	simm.s32 $0x1  }
0x2c: {  	_ =	swait.ge [sflag:s5], $0x800;
	s12 =	simm.s32 @!p0 $0x0  }
0x2d: {  	[sflag:s5] =	ssyncset.done $0x0;
	s13 =	sshll.u32 s12, $0xB  }
0x2e: {  	[sflag:s5] =	ssyncadd.s32 $0xFFFFF800;
	s15 =	sor.u32 $0x40, s13  }
0x2f: {  	v3 =	vld [tilespmem:s15+$0x30]  }
0x30: {  	s12 =	smul.u32 $0x2040, s12;
	v4 =	vld [tilespmem:s15+$0xFFFFFFD0]  }
0x31: {  	v5 =	vld [tilespmem:s15+$0xFFFFFFE0]  }
0x32: {  	s31 =	sand.u32 $0x1, s10;
	s12 =	sshrl.u32 s12, $0x2;
	v1 =	vld [tilespmem:s15+$0xFFFFFFF0]  }
0x33: {  	s13 =	smul.u32 $0x2040, s31;
	v2 =	vld [tilespmem:s15+$0x0];
	s12 =	sor.u32 $0x1007, s12  }
0x34: {  	v0 =	vld [tilespmem:s15+$0x10];
	[tilespmem:s12+$0x0 ss:$0x81] =	vst.msk $0xffff, v3  }
0x35: {  	s13 =	sshrl.u32 s13, $0x2;
	[tilespmem:s12+$0xFFFFFFFA ss:$0x81] =	vst.msk $0xffff, v4;
	v4 =	vld [tilespmem:s15+$0x20]  }
0x36: {  	s14 =	simm.s32 $0x0;
	s13 =	sor.u32 $0x1000, s13;
	v3 =	vld [tilespmem:s15+$0xFFFFFFC0];
	[tilespmem:s12+$0xFFFFFFFB ss:$0x81] =	vst.msk $0xffff, v5;
	s15 =	sadd.s32 $0x80, s15  }
.LBB1_3:
0x37: {  	v5 =	vld [tilespmem:s15+$0x30];
	s14 =	sadd.s32 $0x8, s14;
	[tilespmem:s12+$0xFFFFFFFC ss:$0x81] =	vst.msk $0xffff, v1  }
0x38: {  	v6 =	vld [tilespmem:s15+$0xFFFFFFD0];
	p1 =	slt.u32 s14, $0x78;
	[tilespmem:s12+$0xFFFFFFFD ss:$0x81] =	vst.msk $0xffff, v2  }
0x39: {  	v7 =	vld [tilespmem:s15+$0xFFFFFFE0];
	[tilespmem:s12+$0xFFFFFFFE ss:$0x81] =	vst.msk $0xffff, v0  }
.Ltmp3:
0x3a: {  	v1 =	vld [tilespmem:s15+$0xFFFFFFF0];
	[tilespmem:s12+$0xFFFFFFFF ss:$0x81] =	vst.msk $0xffff, v4;
	(pc) =	sbr.rel @p1 .LBB1_3-.Ltmp3, $4  }
0x3b: {  	v2 =	vld [tilespmem:s15+$0x0];
	[tilespmem:s12+$0xFFFFFFF9 ss:$0x81] =	vst.msk $0xffff, v3;
	s12 =	sadd.s32 $0x8, s12  }
0x3c: {  	v0 =	vld [tilespmem:s15+$0x10];
	[tilespmem:s12+$0x0 ss:$0x81] =	vst.msk $0xffff, v5  }
0x3d: {  	[tilespmem:s12+$0xFFFFFFFA ss:$0x81] =	vst.msk $0xffff, v6;
	v4 =	vld [tilespmem:s15+$0x20]  }
0x3e: {  	v3 =	vld [tilespmem:s15+$0xFFFFFFC0];
	[tilespmem:s12+$0xFFFFFFFB ss:$0x81] =	vst.msk $0xffff, v7;
	s15 =	sadd.s32 $0x80, s15  }
.Ltmp4:
0x3f: {  	_ = 	snop;
	(pc) =	sbr.rel .LBB1_4-.Ltmp4, $1  }
0x40: {  	_ =	sdelay $0x3  }
.LBB1_6:
0x41: {  	_ =	sfence.sel $0x180000  }
0x42: {  	s2 =	simm.s32 $0x1;
	[bflag:$0x0] =	sbarrier.arrive $0xFFFF  }
0x43: {  	s31 =	simm.s32 $0x2;
	[sflag:s2] =	ssyncpa.u1 $0x1  }
0x44: {  	[sflag:s31] =	ssyncpa.u1 $0x1  }
0x45: {  	p0 =	sne.s32 s0, $0x0;
	_ =	strace $0x90000047  }
0x46: {  	s0 =	sadd.s32 @!p0 $0x100000, s1;
	[bflag:$0x2] =	sbarrier.arrive $0xFFFF  }
0x47: {  	[sflag:s0] =	ssyncadd.tile.s32 @!p0 $0x1;
	_ =	shalt  }
.Lfunc_end1:
_tile_overlayer_lowered:
.L_overlay_start_2:
0x48: {  	(tag) =	ssettag $0x2  }
0x49: {  	s0 =	rddreg [dreg:$0x0];
	s2 =	stileid.u32  }
0x4a: {  	s1 =	rddreg [dreg:$0x1];
	p0 =	sne.s32 s2, $0x0  }
0x4b: {  	s3 =	rddreg [dreg:$0x2];
	[bflag:$0x3] =	sbarrier.arrive $0xFFFF;
	s2 =	simm.s32 @!p0 $0x1C01  }
0x4c: {  	[timem:s3], [sflag:s2] =	dma.local @!p0 [hbm:s0], s1  }
0x4d: {  	s0 =	simm.s32 @!p0 $0x1  }
0x4e: {  	_ =	swait.ge @!p0 [sflag:s0], s1  }
0x4f: {  	s1 =	ssub.s32 @!p0 $0x0, s1;
	[sflag:s0] =	ssyncset.done @!p0 $0x0  }
0x50: {  	[sflag:s0] =	ssyncadd.s32 @!p0 s1  }
0x51: {  	[bflag:$0x3] =	sbarrier.arrive $0xFFFF  }
0x52: {  	_ =	shalt  }

</sc_bundles>
